<compile_context>
chip_gen: v7x
topology: tpu7x:2x2x1
jax: 0.10.2.dev20260603
libtpu: 0.0.44.dev20260713+nightly
codegen_flags: <defaults>
</compile_context>

<pallas_src>
import functools

import jax
import jax.numpy as jnp
from jax import lax
from jax.experimental import pallas as pl
from jax.experimental.pallas import tpu as pltpu
from jax.experimental.pallas import tpu_sc as plsc

_N_PATHS = 320000
_N_NODES = 10000
_HIDDEN = 128
_MAX_LEN = 3
_NW = 32
_PPW = _N_PATHS // _NW
_GROUPS = _PPW // 16


def _proj_body(w0_ref, w1_ref, w2_ref, nf_ref, out_ref):
    w = jnp.concatenate([w0_ref[...], w1_ref[...], w2_ref[...]], axis=0)
    out_ref[...] = lax.dot_general(
        w, nf_ref[...],
        dimension_numbers=(((1,), (1,)), ((), ())),
        preferred_element_type=jnp.float32,
    )


def _project(node_feature, w0, w1, w2):
    return pl.pallas_call(
        _proj_body,
        out_shape=jax.ShapeDtypeStruct((_MAX_LEN, _N_NODES), jnp.float32),
    )(w0, w1, w2, node_feature)


_mesh = plsc.VectorSubcoreMesh(core_axis_name="c", subcore_axis_name="s")


@functools.partial(
    pl.kernel,
    mesh=_mesh,
    compiler_params=pltpu.CompilerParams(
        needs_layout_passes=False, use_tc_tiling_on_sc=False
    ),
    out_type=jax.ShapeDtypeStruct((_N_PATHS,), jnp.float32),
    scratch_types=[
        pltpu.VMEM((_PPW,), jnp.int32),
        pltpu.VMEM((_PPW,), jnp.int32),
        pltpu.VMEM((_PPW,), jnp.int32),
        pltpu.VMEM((_N_NODES,), jnp.float32),
        pltpu.VMEM((_N_NODES,), jnp.float32),
        pltpu.VMEM((_N_NODES,), jnp.float32),
        pltpu.VMEM((_PPW,), jnp.float32),
        pltpu.SemaphoreType.DMA,
        pltpu.SemaphoreType.DMA,
        pltpu.SemaphoreType.DMA,
        pltpu.SemaphoreType.DMA,
        pltpu.SemaphoreType.DMA,
        pltpu.SemaphoreType.DMA,
    ],
)
def _sc_gather(proj_hbm, c0_hbm, c1_hbm, c2_hbm, out_hbm,
               p0, p1, p2, t0, t1, t2, ov, s0, s1, s2, s3, s4, s5):
    wid = lax.axis_index("s") * 2 + lax.axis_index("c")
    sl = pl.ds(wid * _PPW, _PPW)
    pltpu.sync_copy(c0_hbm.at[sl], p0)
    pltpu.sync_copy(c1_hbm.at[sl], p1)
    pltpu.sync_copy(c2_hbm.at[sl], p2)
    pltpu.sync_copy(proj_hbm.at[0], t0)
    pltpu.sync_copy(proj_hbm.at[1], t1)
    pltpu.sync_copy(proj_hbm.at[2], t2)

    third = jnp.float32(1.0 / 3.0)

    def body(g, carry):
        s = pl.ds(g * 16, 16)
        g0 = plsc.load_gather(t0, [p0[s]])
        g1 = plsc.load_gather(t1, [p1[s]])
        g2 = plsc.load_gather(t2, [p2[s]])
        ov[s] = (g0 + g1 + g2) * third
        return carry

    lax.fori_loop(0, _GROUPS, body, 0)
    pltpu.sync_copy(ov, out_hbm.at[sl])


def kernel(paths, node_feature, W0, W1, W2):
    proj_t = _project(node_feature, W0, W1, W2)
    out_flat = _sc_gather(
        proj_t, paths[:, 0], paths[:, 1], paths[:, 2]
    )
    return out_flat.reshape(_N_PATHS, 1)

# --- scband reference (transcript-rebuilt; emitter-appended) ---
"""Pipeline reference for scband-path-attention-score-80633716015120 (READ-ONLY COPY).

The authoritative reference and input builder live on the scoring server;
editing this copy changes nothing except your own understanding.
"""

import jax, jax.numpy as jnp
import numpy as np

N_PATHS = 320000
N_NODES = 10000
HIDDEN = 128
MAX_LEN = 3
HEAD = 1


def setup_inputs(seed: int = 0) -> dict:
    key = jax.random.key(seed)
    k1, k2, kw0, kw1, kw2 = jax.random.split(key, 5)
    paths = jax.random.randint(k1, (N_PATHS, MAX_LEN), 0, N_NODES, dtype=jnp.int32)
    node_feature = jax.random.normal(k2, (N_NODES, HIDDEN), dtype=jnp.float32)
    W0 = jax.random.normal(kw0, (1, HIDDEN), dtype=jnp.float32) * 0.05
    W1 = jax.random.normal(kw1, (1, HIDDEN), dtype=jnp.float32) * 0.05
    W2 = jax.random.normal(kw2, (1, HIDDEN), dtype=jnp.float32) * 0.05
    return {"paths": paths, "node_feature": node_feature, "W0": W0, "W1": W1, "W2": W2}


def reference(paths, node_feature, W0, W1, W2):
    # paths[paths < 0] = -1
    paths = jnp.where(paths < 0, -1, paths)
    Ws = [W0, W1, W2]
    attn_scores = []
    for i in range(MAX_LEN):
        idxs = paths[:, i]
        proj = node_feature @ Ws[i].T  # [n_nodes, head]
        padded = jnp.concatenate([proj, jnp.zeros((1, HEAD), dtype=proj.dtype)], axis=0)
        # negative index -1 wraps to the appended zero row, matching torch semantics
        s = padded[idxs]  # [N_PATHS, head]
        attn_scores.append(s)
    path_length = jnp.clip(jnp.sum(paths >= 0, axis=-1, keepdims=True), 1, None)
    attn_score = jnp.sum(jnp.stack(attn_scores, axis=-1), axis=-1)
    attn_score = attn_score / path_length
    return attn_score

if __name__ == "__main__":
    import jax
    _d = setup_inputs()
    print(jax.jit(kernel)(*tuple(_d.values())))

</pallas_src>

<mosaic_0001>
#map = affine_map<(d0, d1) -> (0, 0)>
#map1 = affine_map<(d0, d1) -> (0)>
module attributes {stable_mosaic.version = 14 : i64} {
  func.func @_sc_gather(%arg0: i32, %arg1: i32, %arg2: memref<3x10000xf32, #tpu.memory_space<hbm>>, %arg3: memref<320000xi32, #tpu.memory_space<hbm>>, %arg4: memref<320000xi32, #tpu.memory_space<hbm>>, %arg5: memref<320000xi32, #tpu.memory_space<hbm>>, %arg6: memref<320000xf32, #tpu.memory_space<hbm>>, %arg7: memref<10000xi32, #tpu.memory_space<vmem>>, %arg8: memref<10000xi32, #tpu.memory_space<vmem>>, %arg9: memref<10000xi32, #tpu.memory_space<vmem>>, %arg10: memref<10000xf32, #tpu.memory_space<vmem>>, %arg11: memref<10000xf32, #tpu.memory_space<vmem>>, %arg12: memref<10000xf32, #tpu.memory_space<vmem>>, %arg13: memref<10000xf32, #tpu.memory_space<vmem>>, %arg14: memref<!tpu.dma_semaphore, #tpu.memory_space<semaphore_mem>>, %arg15: memref<!tpu.dma_semaphore, #tpu.memory_space<semaphore_mem>>, %arg16: memref<!tpu.dma_semaphore, #tpu.memory_space<semaphore_mem>>, %arg17: memref<!tpu.dma_semaphore, #tpu.memory_space<semaphore_mem>>, %arg18: memref<!tpu.dma_semaphore, #tpu.memory_space<semaphore_mem>>, %arg19: memref<!tpu.dma_semaphore, #tpu.memory_space<semaphore_mem>>) attributes {dimension_semantics = [#tpu.dimension_semantics<core_parallel>, #tpu.dimension_semantics<subcore_parallel>], iteration_bounds = array<i64: 2, 16>, scalar_prefetch = 0 : i64, scratch_operands = 13 : i64, tpu.core_type = #tpu.core_type<sc_vector_subcore>, window_params = [{transform_indices = #map}, {transform_indices = #map1}, {transform_indices = #map1}, {transform_indices = #map1}, {transform_indices = #map1}]} {
    %mul3A = arith.constant 2 : i32
    %mul3A_0 = arith.muli %arg1, %mul3A : i32
    %add3A = arith.addi %mul3A_0, %arg0 : i32
    %mul3A_1 = arith.constant 10000 : i32
    %mul3A_2 = arith.muli %add3A, %mul3A_1 : i32
    "tpu.region"() ({
      %run_scoped3A_11 = tpu.sem_alloc : memref<!tpu.dma_semaphore, #tpu.memory_space<semaphore_mem>>
      %dma_start3A = tpu.memref_slice %arg3[%mul3A_2] : memref<320000xi32, #tpu.memory_space<hbm>> -> memref<10000xi32, #tpu.memory_space<hbm>>
      %dma_start3A_12 = tpu.memref_slice %arg3[%mul3A_2] : memref<320000xi32, #tpu.memory_space<hbm>> -> memref<10000xi32, #tpu.memory_space<hbm>>
      tpu.enqueue_dma source(%dma_start3A_12 : memref<10000xi32, #tpu.memory_space<hbm>>) target(%arg7 : memref<10000xi32, #tpu.memory_space<vmem>>) target_semaphore(%run_scoped3A_11 : memref<!tpu.dma_semaphore, #tpu.memory_space<semaphore_mem>>)
      %dma_wait3A = tpu.memref_slice %arg3[%mul3A_2] : memref<320000xi32, #tpu.memory_space<hbm>> -> memref<10000xi32, #tpu.memory_space<hbm>>
      %dma_wait3A_13 = tpu.memref_slice %arg3[%mul3A_2] : memref<320000xi32, #tpu.memory_space<hbm>> -> memref<10000xi32, #tpu.memory_space<hbm>>
      tpu.wait_dma2 semaphore(%run_scoped3A_11 : memref<!tpu.dma_semaphore, #tpu.memory_space<semaphore_mem>>) src(%dma_wait3A_13 : memref<10000xi32, #tpu.memory_space<hbm>>) dst(%arg7 : memref<10000xi32, #tpu.memory_space<vmem>>)
      tpu.yield
    }) : () -> ()
    "tpu.region"() ({
      %run_scoped3A_11 = tpu.sem_alloc : memref<!tpu.dma_semaphore, #tpu.memory_space<semaphore_mem>>
      %dma_start3A = tpu.memref_slice %arg4[%mul3A_2] : memref<320000xi32, #tpu.memory_space<hbm>> -> memref<10000xi32, #tpu.memory_space<hbm>>
      %dma_start3A_12 = tpu.memref_slice %arg4[%mul3A_2] : memref<320000xi32, #tpu.memory_space<hbm>> -> memref<10000xi32, #tpu.memory_space<hbm>>
      tpu.enqueue_dma source(%dma_start3A_12 : memref<10000xi32, #tpu.memory_space<hbm>>) target(%arg8 : memref<10000xi32, #tpu.memory_space<vmem>>) target_semaphore(%run_scoped3A_11 : memref<!tpu.dma_semaphore, #tpu.memory_space<semaphore_mem>>)
      %dma_wait3A = tpu.memref_slice %arg4[%mul3A_2] : memref<320000xi32, #tpu.memory_space<hbm>> -> memref<10000xi32, #tpu.memory_space<hbm>>
      %dma_wait3A_13 = tpu.memref_slice %arg4[%mul3A_2] : memref<320000xi32, #tpu.memory_space<hbm>> -> memref<10000xi32, #tpu.memory_space<hbm>>
      tpu.wait_dma2 semaphore(%run_scoped3A_11 : memref<!tpu.dma_semaphore, #tpu.memory_space<semaphore_mem>>) src(%dma_wait3A_13 : memref<10000xi32, #tpu.memory_space<hbm>>) dst(%arg8 : memref<10000xi32, #tpu.memory_space<vmem>>)
      tpu.yield
    }) : () -> ()
    "tpu.region"() ({
      %run_scoped3A_11 = tpu.sem_alloc : memref<!tpu.dma_semaphore, #tpu.memory_space<semaphore_mem>>
      %dma_start3A = tpu.memref_slice %arg5[%mul3A_2] : memref<320000xi32, #tpu.memory_space<hbm>> -> memref<10000xi32, #tpu.memory_space<hbm>>
      %dma_start3A_12 = tpu.memref_slice %arg5[%mul3A_2] : memref<320000xi32, #tpu.memory_space<hbm>> -> memref<10000xi32, #tpu.memory_space<hbm>>
      tpu.enqueue_dma source(%dma_start3A_12 : memref<10000xi32, #tpu.memory_space<hbm>>) target(%arg9 : memref<10000xi32, #tpu.memory_space<vmem>>) target_semaphore(%run_scoped3A_11 : memref<!tpu.dma_semaphore, #tpu.memory_space<semaphore_mem>>)
      %dma_wait3A = tpu.memref_slice %arg5[%mul3A_2] : memref<320000xi32, #tpu.memory_space<hbm>> -> memref<10000xi32, #tpu.memory_space<hbm>>
      %dma_wait3A_13 = tpu.memref_slice %arg5[%mul3A_2] : memref<320000xi32, #tpu.memory_space<hbm>> -> memref<10000xi32, #tpu.memory_space<hbm>>
      tpu.wait_dma2 semaphore(%run_scoped3A_11 : memref<!tpu.dma_semaphore, #tpu.memory_space<semaphore_mem>>) src(%dma_wait3A_13 : memref<10000xi32, #tpu.memory_space<hbm>>) dst(%arg9 : memref<10000xi32, #tpu.memory_space<vmem>>)
      tpu.yield
    }) : () -> ()
    %run_scoped3A = arith.constant 0 : i32
    "tpu.region"() ({
      %run_scoped3A_11 = tpu.sem_alloc : memref<!tpu.dma_semaphore, #tpu.memory_space<semaphore_mem>>
      %dma_start3A = arith.constant 0 : i32
      %dma_start3A_12 = tpu.memref_slice %arg2[%run_scoped3A, %dma_start3A] : memref<3x10000xf32, #tpu.memory_space<hbm>> -> memref<1x10000xf32, #tpu.memory_space<hbm>>
      %dma_start3A_13 = tpu.memref_squeeze %dma_start3A_12 : memref<1x10000xf32, #tpu.memory_space<hbm>> -> memref<10000xf32, #tpu.memory_space<hbm>>
      %dma_start3A_14 = arith.constant 0 : i32
      %dma_start3A_15 = tpu.memref_slice %arg2[%run_scoped3A, %dma_start3A_14] : memref<3x10000xf32, #tpu.memory_space<hbm>> -> memref<1x10000xf32, #tpu.memory_space<hbm>>
      %dma_start3A_16 = tpu.memref_squeeze %dma_start3A_15 : memref<1x10000xf32, #tpu.memory_space<hbm>> -> memref<10000xf32, #tpu.memory_space<hbm>>
      tpu.enqueue_dma source(%dma_start3A_16 : memref<10000xf32, #tpu.memory_space<hbm>>) target(%arg10 : memref<10000xf32, #tpu.memory_space<vmem>>) target_semaphore(%run_scoped3A_11 : memref<!tpu.dma_semaphore, #tpu.memory_space<semaphore_mem>>)
      %dma_wait3A = arith.constant 0 : i32
      %dma_wait3A_17 = tpu.memref_slice %arg2[%run_scoped3A, %dma_wait3A] : memref<3x10000xf32, #tpu.memory_space<hbm>> -> memref<1x10000xf32, #tpu.memory_space<hbm>>
      %dma_wait3A_18 = tpu.memref_squeeze %dma_wait3A_17 : memref<1x10000xf32, #tpu.memory_space<hbm>> -> memref<10000xf32, #tpu.memory_space<hbm>>
      %dma_wait3A_19 = arith.constant 0 : i32
      %dma_wait3A_20 = tpu.memref_slice %arg2[%run_scoped3A, %dma_wait3A_19] : memref<3x10000xf32, #tpu.memory_space<hbm>> -> memref<1x10000xf32, #tpu.memory_space<hbm>>
      %dma_wait3A_21 = tpu.memref_squeeze %dma_wait3A_20 : memref<1x10000xf32, #tpu.memory_space<hbm>> -> memref<10000xf32, #tpu.memory_space<hbm>>
      tpu.wait_dma2 semaphore(%run_scoped3A_11 : memref<!tpu.dma_semaphore, #tpu.memory_space<semaphore_mem>>) src(%dma_wait3A_21 : memref<10000xf32, #tpu.memory_space<hbm>>) dst(%arg10 : memref<10000xf32, #tpu.memory_space<vmem>>)
      tpu.yield
    }) : () -> ()
    %run_scoped3A_3 = arith.constant 1 : i32
    "tpu.region"() ({
      %run_scoped3A_11 = tpu.sem_alloc : memref<!tpu.dma_semaphore, #tpu.memory_space<semaphore_mem>>
      %dma_start3A = arith.constant 0 : i32
      %dma_start3A_12 = tpu.memref_slice %arg2[%run_scoped3A_3, %dma_start3A] : memref<3x10000xf32, #tpu.memory_space<hbm>> -> memref<1x10000xf32, #tpu.memory_space<hbm>>
      %dma_start3A_13 = tpu.memref_squeeze %dma_start3A_12 : memref<1x10000xf32, #tpu.memory_space<hbm>> -> memref<10000xf32, #tpu.memory_space<hbm>>
      %dma_start3A_14 = arith.constant 0 : i32
      %dma_start3A_15 = tpu.memref_slice %arg2[%run_scoped3A_3, %dma_start3A_14] : memref<3x10000xf32, #tpu.memory_space<hbm>> -> memref<1x10000xf32, #tpu.memory_space<hbm>>
      %dma_start3A_16 = tpu.memref_squeeze %dma_start3A_15 : memref<1x10000xf32, #tpu.memory_space<hbm>> -> memref<10000xf32, #tpu.memory_space<hbm>>
      tpu.enqueue_dma source(%dma_start3A_16 : memref<10000xf32, #tpu.memory_space<hbm>>) target(%arg11 : memref<10000xf32, #tpu.memory_space<vmem>>) target_semaphore(%run_scoped3A_11 : memref<!tpu.dma_semaphore, #tpu.memory_space<semaphore_mem>>)
      %dma_wait3A = arith.constant 0 : i32
      %dma_wait3A_17 = tpu.memref_slice %arg2[%run_scoped3A_3, %dma_wait3A] : memref<3x10000xf32, #tpu.memory_space<hbm>> -> memref<1x10000xf32, #tpu.memory_space<hbm>>
      %dma_wait3A_18 = tpu.memref_squeeze %dma_wait3A_17 : memref<1x10000xf32, #tpu.memory_space<hbm>> -> memref<10000xf32, #tpu.memory_space<hbm>>
      %dma_wait3A_19 = arith.constant 0 : i32
      %dma_wait3A_20 = tpu.memref_slice %arg2[%run_scoped3A_3, %dma_wait3A_19] : memref<3x10000xf32, #tpu.memory_space<hbm>> -> memref<1x10000xf32, #tpu.memory_space<hbm>>
      %dma_wait3A_21 = tpu.memref_squeeze %dma_wait3A_20 : memref<1x10000xf32, #tpu.memory_space<hbm>> -> memref<10000xf32, #tpu.memory_space<hbm>>
      tpu.wait_dma2 semaphore(%run_scoped3A_11 : memref<!tpu.dma_semaphore, #tpu.memory_space<semaphore_mem>>) src(%dma_wait3A_21 : memref<10000xf32, #tpu.memory_space<hbm>>) dst(%arg11 : memref<10000xf32, #tpu.memory_space<vmem>>)
      tpu.yield
    }) : () -> ()
    %run_scoped3A_4 = arith.constant 2 : i32
    "tpu.region"() ({
      %run_scoped3A_11 = tpu.sem_alloc : memref<!tpu.dma_semaphore, #tpu.memory_space<semaphore_mem>>
      %dma_start3A = arith.constant 0 : i32
      %dma_start3A_12 = tpu.memref_slice %arg2[%run_scoped3A_4, %dma_start3A] : memref<3x10000xf32, #tpu.memory_space<hbm>> -> memref<1x10000xf32, #tpu.memory_space<hbm>>
      %dma_start3A_13 = tpu.memref_squeeze %dma_start3A_12 : memref<1x10000xf32, #tpu.memory_space<hbm>> -> memref<10000xf32, #tpu.memory_space<hbm>>
      %dma_start3A_14 = arith.constant 0 : i32
      %dma_start3A_15 = tpu.memref_slice %arg2[%run_scoped3A_4, %dma_start3A_14] : memref<3x10000xf32, #tpu.memory_space<hbm>> -> memref<1x10000xf32, #tpu.memory_space<hbm>>
      %dma_start3A_16 = tpu.memref_squeeze %dma_start3A_15 : memref<1x10000xf32, #tpu.memory_space<hbm>> -> memref<10000xf32, #tpu.memory_space<hbm>>
      tpu.enqueue_dma source(%dma_start3A_16 : memref<10000xf32, #tpu.memory_space<hbm>>) target(%arg12 : memref<10000xf32, #tpu.memory_space<vmem>>) target_semaphore(%run_scoped3A_11 : memref<!tpu.dma_semaphore, #tpu.memory_space<semaphore_mem>>)
      %dma_wait3A = arith.constant 0 : i32
      %dma_wait3A_17 = tpu.memref_slice %arg2[%run_scoped3A_4, %dma_wait3A] : memref<3x10000xf32, #tpu.memory_space<hbm>> -> memref<1x10000xf32, #tpu.memory_space<hbm>>
      %dma_wait3A_18 = tpu.memref_squeeze %dma_wait3A_17 : memref<1x10000xf32, #tpu.memory_space<hbm>> -> memref<10000xf32, #tpu.memory_space<hbm>>
      %dma_wait3A_19 = arith.constant 0 : i32
      %dma_wait3A_20 = tpu.memref_slice %arg2[%run_scoped3A_4, %dma_wait3A_19] : memref<3x10000xf32, #tpu.memory_space<hbm>> -> memref<1x10000xf32, #tpu.memory_space<hbm>>
      %dma_wait3A_21 = tpu.memref_squeeze %dma_wait3A_20 : memref<1x10000xf32, #tpu.memory_space<hbm>> -> memref<10000xf32, #tpu.memory_space<hbm>>
      tpu.wait_dma2 semaphore(%run_scoped3A_11 : memref<!tpu.dma_semaphore, #tpu.memory_space<semaphore_mem>>) src(%dma_wait3A_21 : memref<10000xf32, #tpu.memory_space<hbm>>) dst(%arg12 : memref<10000xf32, #tpu.memory_space<vmem>>)
      tpu.yield
    }) : () -> ()
    %scan3A = arith.constant 0 : i32
    %scan3A_5 = arith.constant 0.333333343 : f32
    %scan3A_6 = arith.constant 0 : i32
    %scan3A_7 = arith.constant 625 : i32
    %scan3A_8 = arith.addi %scan3A_6, %scan3A_7 : i32
    %scan3A_9 = arith.constant 1 : i32
    scf.for %scan3A_11 = %scan3A_6 to %scan3A_8 step %scan3A_9  : i32 {
      %mul3A_12 = arith.constant 16 : i32
      %mul3A_13 = arith.muli %scan3A_11, %mul3A_12 : i32
      %get3A = arith.index_cast %mul3A_13 : i32 to index
      %get3A_14 = tpu.vector_load %arg7[%get3A] {strides = array<i32>} : memref<10000xi32, #tpu.memory_space<vmem>>, vector<16xi32>,
      %gather3A = tpu.vector_load_idx %arg10[%get3A_14] : memref<10000xf32, #tpu.memory_space<vmem>>[vector<16xi32>], vector<16xf32>,
      %get3A_15 = arith.index_cast %mul3A_13 : i32 to index
      %get3A_16 = tpu.vector_load %arg8[%get3A_15] {strides = array<i32>} : memref<10000xi32, #tpu.memory_space<vmem>>, vector<16xi32>,
      %gather3A_17 = tpu.vector_load_idx %arg11[%get3A_16] : memref<10000xf32, #tpu.memory_space<vmem>>[vector<16xi32>], vector<16xf32>,
      %get3A_18 = arith.index_cast %mul3A_13 : i32 to index
      %get3A_19 = tpu.vector_load %arg9[%get3A_18] {strides = array<i32>} : memref<10000xi32, #tpu.memory_space<vmem>>, vector<16xi32>,
      %gather3A_20 = tpu.vector_load_idx %arg12[%get3A_19] : memref<10000xf32, #tpu.memory_space<vmem>>[vector<16xi32>], vector<16xf32>,
      %add3A_21 = arith.addf %gather3A, %gather3A_17 : vector<16xf32>
      %add3A_22 = arith.addf %add3A_21, %gather3A_20 : vector<16xf32>
      %mul3A_23 = vector.broadcast %scan3A_5 : f32 to vector<16xf32>
      %mul3A_24 = arith.mulf %add3A_22, %mul3A_23 : vector<16xf32>
      %swap3A = arith.index_cast %mul3A_13 : i32 to index
      %swap3A_25 = tpu.vector_load %arg13[%swap3A] {strides = array<i32>} : memref<10000xf32, #tpu.memory_space<vmem>>, vector<16xf32>,
      tpu.vector_store %arg13[%swap3A], %mul3A_24 {strides = array<i32>} : memref<10000xf32, #tpu.memory_space<vmem>>, vector<16xf32>,
    }
    %scan3A_10 = arith.constant 625 : i32
    "tpu.region"() ({
      %run_scoped3A_11 = tpu.sem_alloc : memref<!tpu.dma_semaphore, #tpu.memory_space<semaphore_mem>>
      %dma_start3A = tpu.memref_slice %arg6[%mul3A_2] : memref<320000xf32, #tpu.memory_space<hbm>> -> memref<10000xf32, #tpu.memory_space<hbm>>
      %dma_start3A_12 = tpu.memref_slice %arg6[%mul3A_2] : memref<320000xf32, #tpu.memory_space<hbm>> -> memref<10000xf32, #tpu.memory_space<hbm>>
      tpu.enqueue_dma source(%arg13 : memref<10000xf32, #tpu.memory_space<vmem>>) target(%dma_start3A_12 : memref<10000xf32, #tpu.memory_space<hbm>>) target_semaphore(%run_scoped3A_11 : memref<!tpu.dma_semaphore, #tpu.memory_space<semaphore_mem>>)
      %dma_wait3A = tpu.memref_slice %arg6[%mul3A_2] : memref<320000xf32, #tpu.memory_space<hbm>> -> memref<10000xf32, #tpu.memory_space<hbm>>
      %dma_wait3A_13 = tpu.memref_slice %arg6[%mul3A_2] : memref<320000xf32, #tpu.memory_space<hbm>> -> memref<10000xf32, #tpu.memory_space<hbm>>
      tpu.wait_dma2 semaphore(%run_scoped3A_11 : memref<!tpu.dma_semaphore, #tpu.memory_space<semaphore_mem>>) src(%arg13 : memref<10000xf32, #tpu.memory_space<vmem>>) dst(%dma_wait3A_13 : memref<10000xf32, #tpu.memory_space<hbm>>)
      tpu.yield
    }) : () -> ()
    return
  }
}

module attributes {stable_mosaic.version = 14 : i64} {
  func.func @_proj_body(%arg0: memref<1x128xf32, #tpu.memory_space<vmem>>, %arg1: memref<1x128xf32, #tpu.memory_space<vmem>>, %arg2: memref<1x128xf32, #tpu.memory_space<vmem>>, %arg3: memref<10000x128xf32, #tpu.memory_space<vmem>>, %arg4: memref<3x10000xf32, #tpu.memory_space<vmem>>) attributes {dimension_semantics = [], scalar_prefetch = 0 : i64, scratch_operands = 0 : i64, tpu.core_type = #tpu.core_type<tc>} {
    %get3A = arith.constant 0 : index
    %get3A_0 = arith.constant 0 : index
    %get3A_1 = vector.load %arg0[%get3A, %get3A_0] : memref<1x128xf32, #tpu.memory_space<vmem>>, vector<1x128xf32>
    %get3A_2 = arith.constant 0 : index
    %get3A_3 = arith.constant 0 : index
    %get3A_4 = vector.load %arg1[%get3A_2, %get3A_3] : memref<1x128xf32, #tpu.memory_space<vmem>>, vector<1x128xf32>
    %get3A_5 = arith.constant 0 : index
    %get3A_6 = arith.constant 0 : index
    %get3A_7 = vector.load %arg2[%get3A_5, %get3A_6] : memref<1x128xf32, #tpu.memory_space<vmem>>, vector<1x128xf32>
    %concatenate3A = tpu.concatenate %get3A_1, %get3A_4, %get3A_7 in 0 : vector<1x128xf32>, vector<1x128xf32>, vector<1x128xf32> -> vector<3x128xf32>
    %get3A_8 = arith.constant 0 : index
    %get3A_9 = arith.constant 0 : index
    %get3A_10 = vector.load %arg3[%get3A_8, %get3A_9] : memref<10000x128xf32, #tpu.memory_space<vmem>>, vector<10000x128xf32>
    %dot_general3A = arith.constant dense<0.000000e+00> : vector<3x10000xf32>
    %dot_general3A_11 = tpu.matmul %concatenate3A, %get3A_10, %dot_general3A {dimension_numbers = #tpu.dot_dimension_numbers<[1], [1], [0], [0], [0, 0, 1, 0], [], []>, transpose_lhs_hint = false} : vector<3x128xf32>, vector<10000x128xf32>, vector<3x10000xf32> -> vector<3x10000xf32>
    %swap3A = arith.constant 0 : index
    %swap3A_12 = arith.constant 0 : index
    %swap3A_13 = vector.load %arg4[%swap3A, %swap3A_12] : memref<3x10000xf32, #tpu.memory_space<vmem>>, vector<3x10000xf32>
    tpu.vector_store %arg4[%swap3A, %swap3A_12], %dot_general3A_11 {strides = array<i32>} : memref<3x10000xf32, #tpu.memory_space<vmem>>, vector<3x10000xf32>,
    return
  }
}

</mosaic_0001>

<sc_bundles>
// kernel: kernel.4.cloned.1.call-start
scs
__scs_entry_jumppad:
0x0: {  	(pc) =	sbr.rel $0x88, $3  }
0x1: {  	(tag) =	ssettag $0x0;
	lr =	simm.s32 $0x1  }
0x2: {  	[smem:$0x3F9C] =	sst lr;
	_ =	strace $0xD0000000  }
0x3: {  	_ = 	snop  }
0x4: {  	_ = 	snop  }
0x5: {  	_ = 	snop  }
0x6: {  	_ = 	snop  }
0x7: {  	_ = 	snop  }
__scs_overlays_trampoline_lowered:
0x8: {  	[smem:$0x3FAB] =	sst s0  }
0x9: {  	[smem:$0x3FAC] =	sst s1  }
0xa: {  	[smem:$0x3FAD] =	sst s2  }
0xb: {  	[smem:$0x3FAE] =	sst s3  }
0xc: {  	[smem:$0x3FAF] =	sst s4  }
0xd: {  	[smem:$0x3FB0] =	sst s5  }
0xe: {  	[smem:$0x3FB1] =	sst s6  }
0xf: {  	[smem:$0x3FB2] =	sst s7  }
0x10: {  	[smem:$0x3FB3] =	sst s8  }
0x11: {  	[smem:$0x3FB4] =	sst s9;
	s0 =	simm.s32 @!p0 $0x0  }
0x12: {  	s1 =	sld [smem:$0x3F9A];
	s0 =	simm.s32 @p0 $0x1  }
0x13: {  	[smem:$0x3FB5] =	sst s0;
	s0 =	simm.s32 @!p1 $0x0  }
0x14: {  	s2 =	sld [smem:$0x3F99];
	s0 =	simm.s32 @p1 $0x1  }
0x15: {  	[smem:$0x3FB6] =	sst s0;
	s0 =	simm.s32 @!p2 $0x0  }
0x16: {  	s3 =	sld [smem:$0x3FDB];
	s0 =	simm.s32 @p2 $0x1  }
0x17: {  	s4 =	simm.s32 $0x1BF5;
	[smem:$0x3FB8] =	sst s0  }
0x18: {  	s0 =	sld [smem:$0x3F9B];
	_ =	swait.ge [sflag:s4], $0x0  }
0x19: {  	s7 =	sld [smem:$0x3F9C]  }
0x1a: {  	s8 =	sadd.s32 $0xFFFFE003, lr  }
0x1b: {  	s9 =	sadd.s32 $0xFFFFFEF7, lr;
	s5 =	simm.s32 $0xFFFFFFFF;
	p2 =	slt.u32 s8, $0xFFFFF086  }
0x1c: {  	p1 =	slt.u32 s9, $0xF7A;
	s5 =	simm.s32 @!p2 $0x0  }
0x1d: {  	s5 =	simm.s32 @p1 $0x1;
	p0 =	seq.s32 s7, s2  }
0x1e: {  	s7 =	smul.u32 @!p0 $0xF7A, s2;
	p2 =	seq.s32 @!p0 s5, $0x0  }
0x1f: {  	s9 =	smul.u32 $0xF7A, s1;
	s8 =	simm.s32 @!p0 $0x1BF5;
	p2 =	por !p2, p0  }
0x20: {  	[sflag:s8] =	ssyncset.s32 @!p0 $0xFFFFF086;
	s6 =	sadd.s32 @!p0 s3, s7;
	s7 =	simm.s32 @!p0 $0x108  }
0x21: {  	s3 =	sadd.s32 s3, s9;
	s6 =	sadd.s32 @!p0 $0x88, s6;
	s7 =	simm.s32 @p2 $0x1082  }
0x22: {  	[simem:s7], [sflag:s8] =	dma.local @!p0 [hbm:s6], $0xF7A  }
0x23: {  	s9 =	sor.u32 $0xD0000000, s2;
	s6 =	simm.s32 $0x108;
	_ =	swait.ge @!p0 [sflag:s8], $0x0  }
0x24: {  	s3 =	sadd.s32 $0x88, s3;
	s6 =	simm.s32 @!p1 $0x1082;
	[sflag:s4] =	ssyncset.s32 $0xFFFFF086  }
0x25: {  	[simem:s6], [sflag:s4] =	dma.local [hbm:s3], $0xF7A  }
0x26: {  	[smem:$0x3F9C] =	sst s1;
	(tag) =	ssettag s2;
	_ =	strace s9  }
0x27: {  	s1 =	sld [smem:$0x3FAC]  }
0x28: {  	s2 =	sld [smem:$0x3FAD]  }
0x29: {  	s4 =	sld [smem:$0x3FAF]  }
0x2a: {  	p0 =	seq.s32 s5, $0x0;
	s5 =	sld [smem:$0x3FB0]  }
0x2b: {  	s6 =	sld [smem:$0x3FB1]  }
0x2c: {  	s7 =	sld [smem:$0x3FB2]  }
0x2d: {  	s3 =	simm.s32 $0x108;
	s8 =	sld [smem:$0x3FB3]  }
0x2e: {  	s3 =	simm.s32 @!p0 $0x1082;
	s9 =	sld [smem:$0x3FB4]  }
0x2f: {  	lr =	sadd.s32 s0, s3;
	s0 =	sld [smem:$0x3FAB]  }
0x30: {  	s3 =	sld [smem:$0x3FAE]  }
0x31: {  	[smem:$0x3FB7] =	sst s10  }
0x32: {  	s10 =	sld [smem:$0x3FB5];
	_ =	sdelay $0x3  }
0x33: {  	p0 =	seq.s32 s10, $0x1;
	s10 =	sld [smem:$0x3FB7];
	_ =	sdelay $0x3  }
0x34: {  	[smem:$0x3FB7] =	sst s10  }
0x35: {  	s10 =	sld [smem:$0x3FB6];
	_ =	sdelay $0x3  }
0x36: {  	p1 =	seq.s32 s10, $0x1;
	s10 =	sld [smem:$0x3FB7];
	_ =	sdelay $0x3  }
0x37: {  	[smem:$0x3FB7] =	sst s10  }
0x38: {  	s10 =	sld [smem:$0x3FB8]  }
0x39: {  	_ = 	snop;
	(pc) =	sbr.ind lr, $3  }
0x3a: {  	_ = 	snop  }
0x3b: {  	_ = 	snop  }
0x3c: {  	p2 =	seq.s32 s10, $0x1;
	s10 =	sld [smem:$0x3FB7]  }
0x3d: {  	_ =	shalt  }
0x3e: {  	_ =	shalt  }
0x3f: {  	_ =	shalt  }
0x40: {  	_ =	shalt  }
0x41: {  	_ =	shalt  }
0x42: {  	_ =	shalt  }
0x43: {  	_ =	shalt  }
0x44: {  	_ =	shalt  }
0x45: {  	_ =	shalt  }
0x46: {  	_ =	shalt  }
0x47: {  	_ =	shalt  }
0x48: {  	_ =	shalt  }
0x49: {  	_ =	shalt  }
0x4a: {  	_ =	shalt  }
0x4b: {  	_ =	shalt  }
0x4c: {  	_ =	shalt  }
0x4d: {  	_ =	shalt  }
0x4e: {  	_ =	shalt  }
0x4f: {  	_ =	shalt  }
0x50: {  	_ =	shalt  }
0x51: {  	_ =	shalt  }
0x52: {  	_ =	shalt  }
0x53: {  	_ =	shalt  }
0x54: {  	_ =	shalt  }
0x55: {  	_ =	shalt  }
0x56: {  	_ =	shalt  }
0x57: {  	_ =	shalt  }
0x58: {  	_ =	shalt  }
0x59: {  	_ =	shalt  }
0x5a: {  	_ =	shalt  }
0x5b: {  	_ =	shalt  }
0x5c: {  	_ =	shalt  }
0x5d: {  	_ =	shalt  }
0x5e: {  	_ =	shalt  }
0x5f: {  	_ =	shalt  }
0x60: {  	_ =	shalt  }
0x61: {  	_ =	shalt  }
0x62: {  	_ =	shalt  }
0x63: {  	_ =	shalt  }
0x64: {  	_ =	shalt  }
0x65: {  	_ =	shalt  }
0x66: {  	_ =	shalt  }
0x67: {  	_ =	shalt  }
0x68: {  	_ =	shalt  }
0x69: {  	_ =	shalt  }
0x6a: {  	_ =	shalt  }
0x6b: {  	_ =	shalt  }
0x6c: {  	_ =	shalt  }
0x6d: {  	_ =	shalt  }
0x6e: {  	_ =	shalt  }
0x6f: {  	_ =	shalt  }
0x70: {  	_ =	shalt  }
0x71: {  	_ =	shalt  }
0x72: {  	_ =	shalt  }
0x73: {  	_ =	shalt  }
0x74: {  	_ =	shalt  }
0x75: {  	_ =	shalt  }
0x76: {  	_ =	shalt  }
0x77: {  	_ =	shalt  }
0x78: {  	_ =	shalt  }
0x79: {  	_ =	shalt  }
0x7a: {  	_ =	shalt  }
0x7b: {  	_ =	shalt  }
0x7c: {  	_ =	shalt  }
0x7d: {  	_ =	shalt  }
0x7e: {  	_ =	shalt  }
0x7f: {  	_ =	shalt  }
0x80: {  	_ =	shalt  }
0x81: {  	_ =	shalt  }
0x82: {  	_ =	shalt  }
0x83: {  	_ =	shalt  }
0x84: {  	_ =	shalt  }
0x85: {  	_ =	shalt  }
0x86: {  	_ =	shalt  }
0x87: {  	_ =	shalt  }
.Lfunc_end0:
.L_simem_size_0:
called_computation_lowered:
.L_overlay_start_0:
0x88: {  	s2 =	sld [smem:$0x3FD9]  }
0x89: {  	s3 =	sld [smem:$0x3FFE];
	_ =	sdelay $0x1  }
0x8a: {  	s1 =	srdreg.scid  }
0x8b: {  	s0 =	sand.u32 $0x1, s1  }
0x8c: {  	s17 =	sshll.u32 s0, $0xA;
	s2 =	sadd.s32 s3, s2  }
0x8d: {  	s2 =	sadd.s32 s2, s17  }
0x8e: {  	[smem:$0x3FC3] =	sst s2  }
0x8f: {  	_ = 	snop  }
0x90: {  	s2 =	sld [smem:$0x3FD0];
	(tm) =	ssettm $0x1  }
0x91: {  	s18 =	sld [smem:$0x3FFB];
	_ =	sdelay $0x3  }
0x92: {  	_ =	strace s18  }
0x93: {  	s3 =	sld [smem:$0x3FFC];
	_ =	sdelay $0x3  }
0x94: {  	_ =	strace s3  }
0x95: {  	s3 =	sld [smem:$0x3FFD];
	_ =	sdelay $0x3  }
0x96: {  	_ =	strace s3  }
0x97: {  	_ =	strace $0x8FFFFFFF  }
0x98: {  	s19 =	sld [smem:$0x3FDB];
	_ =	sdelay $0x1  }
0x99: {  	s4 =	simm.s32 $_scs_section_size  }
0x9a: {  	s5 =	simm.s32 $_size__tile_overlayer_lowered;
	s6 =	simm.s32 $_tile_overlayer_lowered  }
0x9b: {  	s22 =	simm.s32 $0x1BFF;
	s21 =	sshll.u32 s6, $0x1;
	s3 =	sadd.s32 s4, s19  }
0x9c: {  	s7 =	simm.s32 $0x0;
	s20 =	sshll.u32 s5, $0x1;
	s5 =	sadd.s32 s21, s3  }
0x9d: {  	[timem:s7], [sflag:s22] =	dma.local [hbm:s5], s20  }
0x9e: {  	_ =	swait.ge [sflag:s22], s20  }
0x9f: {  	s4 =	ssub.s32 $0x0, s20;
	[sflag:s22] =	ssyncset.done $0x0  }
0xa0: {  	[sflag:s22] =	ssyncadd.s32 s4;
	_ =	sdelay $0x1  }
0xa1: {  	s23 =	simm.s32 $0x1B8B  }
0xa2: {  	_ =	swait.ge [sflag:s23], $0x1  }
0xa3: {  	[sflag:s23] =	ssyncset.done $0x0  }
0xa4: {  	s25 =	simm.s32 $0x1B8E;
	s24 =	sld [smem:$0x3FFE];
	[sflag:s23] =	ssyncadd.s32 $0xFFFFFFFF  }
0xa5: {  	s26 =	simm.s32 $execute0_lowered;
	[smem:$0x3FD2] =	sst s25  }
0xa6: {  	s5 =	sshll.u32 s26, $0x1;
	_ =	strace $0x80000046;
	[dreg:$0x1] =	wrdreg $0xFFFFFFFF  }
0xa7: {  	s28 =	simm.s32 $_size_execute0_lowered;
	s3 =	sadd.s32 s3, s5;
	[dreg:$0x0] =	wrdreg $0x0  }
0xa8: {  	s5 =	sshll.u32 s28, $0x1;
	[dreg:$0x2] =	wrdreg s3  }
0xa9: {  	[dreg:$0x3] =	wrdreg s5  }
0xaa: {  	[dreg:$0x4] =	wrdreg $0xC0  }
0xab: {  	_ =	task [dreg:s7], $0x5FFFF  }
0xac: {  	[dreg:$0x1] =	wrdreg $0xFFFFFFFF  }
0xad: {  	[dreg:$0x0] =	wrdreg $0x60  }
0xae: {  	[dreg:$0x2] =	wrdreg s2  }
0xaf: {  	[dreg:$0x3] =	wrdreg s24  }
0xb0: {  	[dreg:$0x4] =	wrdreg $0x9  }
0xb1: {  	_ =	task.clear_ibuf [dreg:s7], $0x5FFFF;
	_ =	strace $0x90000046  }
0xb2: {  	s29 =	simm.s32 $0x9;
	_ =	strace $0x80000048  }
0xb3: {  	_ =	swait.ge [sflag:s29], $0x1  }
0xb4: {  	[sflag:s29] =	ssyncadd.s32 $0xFFFFFFFF  }
0xb5: {  	_ =	strace $0x90000048  }
0xb6: {  	_ =	sfence  }
0xb7: {  	s30 =	sld [smem:$0x0];
	_ =	sdelay $0x2  }
0xb8: {  	s31 =	sshll.u32 s1, $0xD;
	s1 =	sshrl.u32 s1, $0x2  }
0xb9: {  	s3 =	sand.u32 $0x4000, s31;
	s1 =	sadd.s32 s1, s30  }
0xba: {  	s0 =	sor.u32 s3, s0;
	s1 =	sshll.u32 s1, $0x11  }
0xbb: {  	s0 =	sor.u32 s1, s0  }
0xbc: {  	s0 =	sadd.s32 $0x8F2B, s0  }
0xbd: {  	[sflag:s0] =	ssyncadd.remote.s32 $0x1  }
0xbe: {  	_ =	sfence.sel $0xFFFF  }
0xbf: {  	[dreg:$0x0] =	wrdreg $0xFFFFFFFF;
	(pc) =	sbr.abs _section_cstart, $3  }
0xc0: {  	[dreg:$0x1] =	wrdreg $0xFFFFFFFF  }
0xc1: {  	_ =	task.clear_ibuf [dreg:s7], $0x2FFFF;
	_ =	strace $0x9FFFFFFF  }
0xc2: {  	(tm) =	ssettm $0x7FFFFFFF  }
0xc3: {  	_ =	shalt  }
tec
execute0_lowered:
.L_overlay_start_1:
0x0: {  	(tag) =	ssettag $0x1  }
0x1: {  	s1 =	srdreg.scid  }
0x2: {  	s0 =	stileid.u32;
	s2 =	rddreg [dreg:$0x0]  }
0x3: {  	s5 =	rddreg [dreg:$0x1];
	s3 =	simm.s32 $0x0;
	s11 =	simm.s32 $0x1  }
0x4: {  	s12 =	simm.s32 $0x2710;
	s13 =	simm.s32 $0x4E20;
	s14 =	simm.s32 $0x7530  }
0x5: {  	s15 =	simm.s32 $0x9C40;
	s16 =	simm.s32 $0xC350;
	s17 =	simm.s32 $0xEA60  }
0x6: {  	s18 =	simm.s32 $0x0;
	s4 =	sand.u32 $0x1, s1;
	s31 =	sshll.u32 s0, $0x1  }
0x7: {  	s1 =	rddreg [dreg:$0x2];
	s6 =	sor.u32 s4, s31;
	s7 =	ssub.s32 $0x2, s4  }
0x8: {  	[smem:$0x7FF] =	sst s3;
	s6 =	smul.u32 $0x4E2, s6;
	s8 =	sshrl.u32 s7, $0x1  }
0x9: {  	_ =	strace $0x80000047;
	s10 =	ssub.s32 s7, s8;
	s7 =	sadd.s32 $0x4E2, s2  }
0xa: {  	s8 =	sadd.s32 $0x9C4, s2;
	s4 =	sadd.s32 s5, s6;
	s10 =	smax.u32 s10, $0x1  }
0xb: {  	s5 =	sadd.s32 $0x13C00, s4;
	s6 =	sadd.s32 $0x9E00, s4;
	s9 =	sadd.s32 $0x1DA00, s4  }
.LBB2_1:
0xc: {  	[tilespmem:s3], [sflag:$0x1] =	stream.linear.gather [hbm4b:s5+s3], $0x2710, $0x38;
	[tilespmem:$0x11170] =	vst v63  }
0xd: {  	_ =	swait.ge [sflag:s11], $0x2710  }
0xe: {  	[sflag:s11] =	ssyncset.done $0x0  }
0xf: {  	[sflag:s11] =	ssyncadd.s32 $0xFFFFD8F0  }
0x10: {  	[tilespmem:s12], [sflag:$0x1] =	stream.linear.gather [hbm4b:s6+s3], $0x2710, $0x38;
	[tilespmem:$0x11170] =	vst v63  }
0x11: {  	_ =	swait.ge [sflag:s11], $0x2710  }
0x12: {  	[sflag:s11] =	ssyncset.done $0x0  }
0x13: {  	[sflag:s11] =	ssyncadd.s32 $0xFFFFD8F0  }
0x14: {  	[tilespmem:s13], [sflag:$0x1] =	stream.linear.gather [hbm4b:s4+s3], $0x2710, $0x38;
	[tilespmem:$0x11170] =	vst v63  }
0x15: {  	_ =	swait.ge [sflag:s11], $0x2710  }
0x16: {  	[sflag:s11] =	ssyncset.done $0x0  }
0x17: {  	[sflag:s11] =	ssyncadd.s32 $0xFFFFD8F0  }
0x18: {  	[tilespmem:s14], [sflag:$0x1] =	stream.linear.gather [hbm4b:s2+s3], $0x2710, $0x38;
	[tilespmem:$0x11170] =	vst v63  }
0x19: {  	_ =	swait.ge [sflag:s11], $0x2710  }
0x1a: {  	[sflag:s11] =	ssyncset.done $0x0  }
0x1b: {  	[sflag:s11] =	ssyncadd.s32 $0xFFFFD8F0  }
0x1c: {  	[tilespmem:s15], [sflag:$0x1] =	stream.linear.gather [hbm4b:s7+s3], $0x2710, $0x38;
	[tilespmem:$0x11170] =	vst v63  }
0x1d: {  	_ =	swait.ge [sflag:s11], $0x2710  }
0x1e: {  	[sflag:s11] =	ssyncset.done $0x0  }
0x1f: {  	[sflag:s11] =	ssyncadd.s32 $0xFFFFD8F0  }
0x20: {  	[tilespmem:s16], [sflag:$0x1] =	stream.linear.gather [hbm4b:s8+s3], $0x2710, $0x38;
	[tilespmem:$0x11170] =	vst v63  }
0x21: {  	_ =	swait.ge [sflag:s11], $0x2710  }
0x22: {  	[sflag:s11] =	ssyncset.done $0x0  }
0x23: {  	s19 =	simm.s32 $0x0;
	[sflag:s11] =	ssyncadd.s32 $0xFFFFD8F0  }
0x24: {  	v0 =	vld [tilespmem:s19+$0x2710]  }
0x25: {  	v2 =	vld [tilespmem:s19+$0x0];
	_ =	sdelay $0x1  }
0x26: {  	v4 =	vld [tilespmem:s19+$0x4E20];
	_ =	sdelay $0x4  }
0x27: {  	v1 =	vld.idx.msk [tilespmem:v0+s15+$0x0], $0xffff  }
0x28: {  	v3 =	vld.idx.msk [tilespmem:v2+s14+$0x0], $0xffff;
	_ =	sdelay $0x1  }
0x29: {  	v2 =	vld.idx.msk [tilespmem:v4+s16+$0x0], $0xffff  }
0x2a: {  	s20 =	simm.s32 $0x10  }
0x2b: {  	s21 =	simm.s32 $0x80;
	v0 =	vld [tilespmem:s20+$0x2710]  }
.LBB2_2:
0x2c: {  	p0 =	sne.s32 s21, $0x9C00;
	v4 =	vld [tilespmem:s20+$0x0];
	v1 =	vadd.f32 v1, v3;
	_ =	sdelay $0x1  }
0x2d: {  	v5 =	vld [tilespmem:s20+$0x4E20];
	v1 =	vadd.f32 v2, v1;
	_ =	sdelay $0x1  }
0x2e: {  	v1 =	vmul.f32 $3.333333430e-01, v1;
	_ =	sdelay $0x1  }
0x2f: {  	[tilespmem:s19+$0xEA60] =	vst v1;
	s19 =	smov.u32 s20  }
0x30: {  	v1 =	vld.idx.msk [tilespmem:v0+s15+$0x0], $0xffff  }
0x31: {  	v3 =	vld.idx.msk [tilespmem:v4+s14+$0x0], $0xffff  }
.Ltmp0:
0x32: {  	(pc) =	sbr.rel @p0 .LBB2_2-.Ltmp0, $3  }
0x33: {  	v2 =	vld.idx.msk [tilespmem:v5+s16+$0x0], $0xffff;
	_ =	sdelay $0x1  }
0x34: {  	s20 =	sshra.s32 s21, $0x2  }
0x35: {  	s21 =	sadd.s32 $0x40, s21;
	v0 =	vld [tilespmem:s20+$0x2710]  }
0x36: {  	_ = 	snop  }
0x37: {  	v4 =	vld [tilespmem:s20+$0x0];
	v1 =	vadd.f32 v1, v3;
	_ =	sdelay $0x1  }
0x38: {  	v62 =	vld [tilespmem:s20+$0x4E20];
	v1 =	vadd.f32 v2, v1;
	_ =	sdelay $0x1  }
0x39: {  	v1 =	vmul.f32 $3.333333430e-01, v1;
	_ =	sdelay $0x1  }
0x3a: {  	[tilespmem:s19+$0xEA60] =	vst v1  }
0x3b: {  	v0 =	vld.idx.msk [tilespmem:v0+s15+$0x0], $0xffff  }
0x3c: {  	v1 =	vld.idx.msk [tilespmem:v4+s14+$0x0], $0xffff;
	_ =	sdelay $0x1  }
0x3d: {  	v63 =	vld.idx.msk [tilespmem:v62+s16+$0x0], $0xffff;
	_ =	sdelay $0x2  }
0x3e: {  	v0 =	vadd.f32 v0, v1;
	_ =	sdelay $0x1  }
0x3f: {  	v0 =	vadd.f32 v63, v0;
	_ =	sdelay $0x1  }
0x40: {  	s18 =	sadd.s32 $0x1, s18;
	v0 =	vmul.f32 $3.333333430e-01, v0  }
0x41: {  	p0 =	sne.s32 s18, s10  }
.Ltmp1:
0x42: {  	[tilespmem:s20+$0xEA60] =	vst v0;
	(pc) =	sbr.rel @p0 .LBB2_1-.Ltmp1, $4  }
0x43: {  	[hbm4b:s9+s3] =	stream.linear.scatter [tilespmem:s17], [sflag:$0x1], $0x2710, $0x38;
	[tilespmem:$0x11170] =	vst v63  }
0x44: {  	_ =	swait.ge [sflag:s11], $0x2710  }
0x45: {  	[sflag:s11] =	ssyncset.done $0x0  }
0x46: {  	[sflag:s11] =	ssyncadd.s32 $0xFFFFD8F0  }
0x47: {  	_ =	sfence.sel $0x180000  }
0x48: {  	[bflag:$0x0] =	sbarrier.arrive $0xFFFF  }
0x49: {  	p0 =	sne.s32 s0, $0x0;
	_ =	strace $0x90000047  }
0x4a: {  	s0 =	sadd.s32 @!p0 $0x100000, s1;
	[bflag:$0x2] =	sbarrier.arrive $0xFFFF  }
0x4b: {  	[sflag:s0] =	ssyncadd.tile.s32 @!p0 $0x1;
	_ =	shalt  }
.Lfunc_end2:
_tile_overlayer_lowered:
.L_overlay_start_2:
0x4c: {  	(tag) =	ssettag $0x2  }
0x4d: {  	s0 =	rddreg [dreg:$0x0];
	s2 =	stileid.u32  }
0x4e: {  	s1 =	rddreg [dreg:$0x1];
	p0 =	sne.s32 s2, $0x0  }
0x4f: {  	s3 =	rddreg [dreg:$0x2];
	[bflag:$0x3] =	sbarrier.arrive $0xFFFF;
	s2 =	simm.s32 @!p0 $0x1C01  }
0x50: {  	[timem:s3], [sflag:s2] =	dma.local @!p0 [hbm:s0], s1  }
0x51: {  	s0 =	simm.s32 @!p0 $0x1  }
0x52: {  	_ =	swait.ge @!p0 [sflag:s0], s1  }
0x53: {  	s1 =	ssub.s32 @!p0 $0x0, s1;
	[sflag:s0] =	ssyncset.done @!p0 $0x0  }
0x54: {  	[sflag:s0] =	ssyncadd.s32 @!p0 s1  }
0x55: {  	[bflag:$0x3] =	sbarrier.arrive $0xFFFF  }
0x56: {  	_ =	shalt  }

</sc_bundles>
